<compile_context>
chip_gen: v7x
topology: tpu7x:2x2x1
jax: 0.10.2.dev20260603
libtpu: 0.0.44.dev20260713+nightly
codegen_flags: <defaults>
</compile_context>

<pallas_src>
import jax
import jax.numpy as jnp
from jax import lax
from jax.experimental import pallas as pl
from jax.experimental.pallas import tpu as pltpu
from jax.experimental.pallas import tpu_sc as plsc


def _copy_body(dst_ref, out_ref):
    out_ref[...] = dst_ref[...]


def _tc_copy(dst_in):
    B, H, S, D = dst_in.shape
    HB = 8
    return pl.pallas_call(
        _copy_body,
        grid=(B, H // HB),
        in_specs=[pl.BlockSpec((1, HB, S, D), lambda b, h: (b, h, 0, 0))],
        out_specs=pl.BlockSpec((1, HB, S, D), lambda b, h: (b, h, 0, 0)),
        out_shape=jax.ShapeDtypeStruct(dst_in.shape, dst_in.dtype),
    )(dst_in)


def _make_sc_scatter(NW, K, D):
    mesh = plsc.VectorSubcoreMesh(core_axis_name="c", subcore_axis_name="s")
    NC = mesh.num_cores

    @pl.kernel(
        mesh=mesh,
        out_type=(),
        scratch_types=[
            pltpu.VMEM((K, 128), jnp.int32),
            pltpu.VMEM((K, 128, D), jnp.float32),
            pltpu.SemaphoreType.DMA,
            pltpu.SemaphoreType.DMA,
            pltpu.SemaphoreType.DMA((K,)),
        ],
    )
    def sc_scatter(out_hbm, rows_hbm, src_hbm, idx_v, rows_v, sem_i, sem_s, sem_sc):
        wid = lax.axis_index("s") * NC + lax.axis_index("c")
        ci = pltpu.make_async_copy(rows_hbm.at[wid], idx_v, sem_i)
        cs = pltpu.make_async_copy(src_hbm.at[wid], rows_v, sem_s)
        ci.start()
        cs.start()
        ci.wait()
        cs.wait()
        scs = []
        for j in range(K):
            c = pltpu.make_async_copy(rows_v.at[j], out_hbm.at[idx_v.at[j]], sem_sc.at[j])
            c.start()
            scs.append(c)
        for c in scs:
            c.wait()

    return sc_scatter


def kernel(dst_in, indices_in, src_in, dim_i):
    B, H, S, D = dst_in.shape
    Q = src_in.shape[2]
    offs = (indices_in + (jnp.asarray(dim_i) - 2)).astype(jnp.int32)

    info = plsc.get_sparse_core_info()
    NW = info.num_cores * info.num_subcores
    K = (B * H * Q) // (NW * 128)

    base = ((jnp.arange(B) * H)[:, None] + jnp.arange(H)[None, :]) * S
    rows = base[:, :, None] + offs[:, None, None] + jnp.arange(Q)[None, None, :]
    rows = rows.reshape(NW, K, 128).astype(jnp.int32)
    src_r = src_in.reshape(NW, K, 128, D)

    out_ref = jax.new_ref(dst_in.reshape(B * H * S, D))
    _make_sc_scatter(NW, K, D)(out_ref, rows, src_r)
    return out_ref[...].reshape(B, H, S, D)

# --- scband reference (transcript-rebuilt; emitter-appended) ---
"""Pipeline reference for scband-model-18116172055231 (READ-ONLY COPY).

The authoritative reference and input builder live on the scoring server;
editing this copy changes nothing except your own understanding.
"""

import jax, jax.numpy as jnp
import numpy as np

B, H, S, D, Q = 32, 16, 2048, 128, 16

def setup_inputs(seed: int = 0) -> dict:
    key = jax.random.key(seed)
    k1, k2, k3 = jax.random.split(key, 3)
    dst_in = jax.random.normal(k1, (B, H, S, D), dtype=jnp.float32)
    src_in = jax.random.normal(k2, (B, H, Q, D), dtype=jnp.float32)
    indices_in = jax.random.randint(k3, (B,), 0, S - Q, dtype=jnp.int32)
    return {"dst_in": dst_in, "indices_in": indices_in, "src_in": src_in, "dim_i": 2}

def reference(dst_in, indices_in, src_in, dim_i):
    # torch_npu.scatter_update_(dst, indices, src, dim):
    # for each batch b, overwrite dst[b] along axis `dim` (here dim=2, the seq axis)
    # starting at offset indices[b] with the slice src[b] (KV-cache style update).
    def upd(d, i, s):
        zero = jnp.zeros((), dtype=i.dtype)
        off = i + (jnp.asarray(dim_i) - 2).astype(i.dtype)
        return jax.lax.dynamic_update_slice(d, s, (zero, off, zero))
    out = jax.vmap(upd)(dst_in, indices_in, src_in)
    return out

if __name__ == "__main__":
    import jax
    _d = setup_inputs()
    print(jax.jit(kernel)(*tuple(_d.values())))

</pallas_src>

<mosaic_0001>
#map = affine_map<(d0, d1) -> (0, 0)>
#map1 = affine_map<(d0, d1) -> (0, 0, 0)>
#map2 = affine_map<(d0, d1) -> (0, 0, 0, 0)>
module attributes {stable_mosaic.version = 14 : i64} {
  func.func @new_body(%arg0: i32, %arg1: i32, %arg2: memref<1048576x128xf32, #tpu.memory_space<hbm>>, %arg3: memref<32x2x128xi32, #tpu.memory_space<hbm>>, %arg4: memref<32x2x128x128xf32, #tpu.memory_space<hbm>>, %arg5: memref<1048576x128xf32, #tpu.memory_space<hbm>>, %arg6: memref<2x128xi32, #tpu.memory_space<vmem>>, %arg7: memref<2x128x128xf32, #tpu.memory_space<vmem>>, %arg8: memref<!tpu.dma_semaphore, #tpu.memory_space<semaphore_mem>>, %arg9: memref<!tpu.dma_semaphore, #tpu.memory_space<semaphore_mem>>, %arg10: memref<2x!tpu.dma_semaphore, #tpu.memory_space<semaphore_mem>>) attributes {dimension_semantics = [#tpu.dimension_semantics<core_parallel>, #tpu.dimension_semantics<subcore_parallel>], iteration_bounds = array<i64: 2, 16>, scalar_prefetch = 0 : i64, scratch_operands = 5 : i64, tpu.core_type = #tpu.core_type<sc_vector_subcore>, window_params = [{transform_indices = #map}, {transform_indices = #map1}, {transform_indices = #map2}, {transform_indices = #map}]} {
    %mul3A = arith.constant 2 : i32
    %mul3A_0 = arith.muli %arg1, %mul3A : i32
    %add3A = arith.addi %mul3A_0, %arg0 : i32
    %dma_start3A = arith.constant 0 : i32
    %dma_start3A_1 = arith.constant 0 : i32
    %dma_start3A_2 = tpu.memref_slice %arg3[%add3A, %dma_start3A, %dma_start3A_1] : memref<32x2x128xi32, #tpu.memory_space<hbm>> -> memref<1x2x128xi32, #tpu.memory_space<hbm>>
    %dma_start3A_3 = tpu.memref_squeeze %dma_start3A_2 : memref<1x2x128xi32, #tpu.memory_space<hbm>> -> memref<2x128xi32, #tpu.memory_space<hbm>>
    %dma_start3A_4 = arith.constant 0 : i32
    %dma_start3A_5 = arith.constant 0 : i32
    %dma_start3A_6 = tpu.memref_slice %arg3[%add3A, %dma_start3A_4, %dma_start3A_5] : memref<32x2x128xi32, #tpu.memory_space<hbm>> -> memref<1x2x128xi32, #tpu.memory_space<hbm>>
    %dma_start3A_7 = tpu.memref_squeeze %dma_start3A_6 : memref<1x2x128xi32, #tpu.memory_space<hbm>> -> memref<2x128xi32, #tpu.memory_space<hbm>>
    tpu.enqueue_dma source(%dma_start3A_7 : memref<2x128xi32, #tpu.memory_space<hbm>>) target(%arg6 : memref<2x128xi32, #tpu.memory_space<vmem>>) target_semaphore(%arg8 : memref<!tpu.dma_semaphore, #tpu.memory_space<semaphore_mem>>)
    %dma_start3A_8 = arith.constant 0 : i32
    %dma_start3A_9 = arith.constant 0 : i32
    %dma_start3A_10 = arith.constant 0 : i32
    %dma_start3A_11 = tpu.memref_slice %arg4[%add3A, %dma_start3A_8, %dma_start3A_9, %dma_start3A_10] : memref<32x2x128x128xf32, #tpu.memory_space<hbm>> -> memref<1x2x128x128xf32, #tpu.memory_space<hbm>>
    %dma_start3A_12 = tpu.memref_squeeze %dma_start3A_11 : memref<1x2x128x128xf32, #tpu.memory_space<hbm>> -> memref<2x128x128xf32, #tpu.memory_space<hbm>>
    %dma_start3A_13 = arith.constant 0 : i32
    %dma_start3A_14 = arith.constant 0 : i32
    %dma_start3A_15 = arith.constant 0 : i32
    %dma_start3A_16 = tpu.memref_slice %arg4[%add3A, %dma_start3A_13, %dma_start3A_14, %dma_start3A_15] : memref<32x2x128x128xf32, #tpu.memory_space<hbm>> -> memref<1x2x128x128xf32, #tpu.memory_space<hbm>>
    %dma_start3A_17 = tpu.memref_squeeze %dma_start3A_16 : memref<1x2x128x128xf32, #tpu.memory_space<hbm>> -> memref<2x128x128xf32, #tpu.memory_space<hbm>>
    tpu.enqueue_dma source(%dma_start3A_17 : memref<2x128x128xf32, #tpu.memory_space<hbm>>) target(%arg7 : memref<2x128x128xf32, #tpu.memory_space<vmem>>) target_semaphore(%arg9 : memref<!tpu.dma_semaphore, #tpu.memory_space<semaphore_mem>>)
    %dma_wait3A = arith.constant 0 : i32
    %dma_wait3A_18 = arith.constant 0 : i32
    %dma_wait3A_19 = tpu.memref_slice %arg3[%add3A, %dma_wait3A, %dma_wait3A_18] : memref<32x2x128xi32, #tpu.memory_space<hbm>> -> memref<1x2x128xi32, #tpu.memory_space<hbm>>
    %dma_wait3A_20 = tpu.memref_squeeze %dma_wait3A_19 : memref<1x2x128xi32, #tpu.memory_space<hbm>> -> memref<2x128xi32, #tpu.memory_space<hbm>>
    %dma_wait3A_21 = arith.constant 0 : i32
    %dma_wait3A_22 = arith.constant 0 : i32
    %dma_wait3A_23 = tpu.memref_slice %arg3[%add3A, %dma_wait3A_21, %dma_wait3A_22] : memref<32x2x128xi32, #tpu.memory_space<hbm>> -> memref<1x2x128xi32, #tpu.memory_space<hbm>>
    %dma_wait3A_24 = tpu.memref_squeeze %dma_wait3A_23 : memref<1x2x128xi32, #tpu.memory_space<hbm>> -> memref<2x128xi32, #tpu.memory_space<hbm>>
    tpu.wait_dma2 semaphore(%arg8 : memref<!tpu.dma_semaphore, #tpu.memory_space<semaphore_mem>>) src(%dma_wait3A_24 : memref<2x128xi32, #tpu.memory_space<hbm>>) dst(%arg6 : memref<2x128xi32, #tpu.memory_space<vmem>>)
    %dma_wait3A_25 = arith.constant 0 : i32
    %dma_wait3A_26 = arith.constant 0 : i32
    %dma_wait3A_27 = arith.constant 0 : i32
    %dma_wait3A_28 = tpu.memref_slice %arg4[%add3A, %dma_wait3A_25, %dma_wait3A_26, %dma_wait3A_27] : memref<32x2x128x128xf32, #tpu.memory_space<hbm>> -> memref<1x2x128x128xf32, #tpu.memory_space<hbm>>
    %dma_wait3A_29 = tpu.memref_squeeze %dma_wait3A_28 : memref<1x2x128x128xf32, #tpu.memory_space<hbm>> -> memref<2x128x128xf32, #tpu.memory_space<hbm>>
    %dma_wait3A_30 = arith.constant 0 : i32
    %dma_wait3A_31 = arith.constant 0 : i32
    %dma_wait3A_32 = arith.constant 0 : i32
    %dma_wait3A_33 = tpu.memref_slice %arg4[%add3A, %dma_wait3A_30, %dma_wait3A_31, %dma_wait3A_32] : memref<32x2x128x128xf32, #tpu.memory_space<hbm>> -> memref<1x2x128x128xf32, #tpu.memory_space<hbm>>
    %dma_wait3A_34 = tpu.memref_squeeze %dma_wait3A_33 : memref<1x2x128x128xf32, #tpu.memory_space<hbm>> -> memref<2x128x128xf32, #tpu.memory_space<hbm>>
    tpu.wait_dma2 semaphore(%arg9 : memref<!tpu.dma_semaphore, #tpu.memory_space<semaphore_mem>>) src(%dma_wait3A_34 : memref<2x128x128xf32, #tpu.memory_space<hbm>>) dst(%arg7 : memref<2x128x128xf32, #tpu.memory_space<vmem>>)
    %dma_start3A_35 = arith.constant 0 : i32
    %dma_start3A_36 = arith.constant 0 : i32
    %dma_start3A_37 = arith.constant 0 : i32
    %dma_start3A_38 = arith.constant 0 : i32
    %dma_start3A_39 = arith.constant 0 : i32
    %dma_start3A_40 = tpu.memref_slice %arg7[%dma_start3A_35, %dma_start3A_38, %dma_start3A_39] : memref<2x128x128xf32, #tpu.memory_space<vmem>> -> memref<1x128x128xf32, #tpu.memory_space<vmem>>
    %dma_start3A_41 = tpu.memref_squeeze %dma_start3A_40 : memref<1x128x128xf32, #tpu.memory_space<vmem>> -> memref<128x128xf32, #tpu.memory_space<vmem>>
    %dma_start3A_42 = arith.constant 0 : i32
    %dma_start3A_43 = tpu.memref_slice %arg6[%dma_start3A_36, %dma_start3A_42] : memref<2x128xi32, #tpu.memory_space<vmem>> -> memref<1x128xi32, #tpu.memory_space<vmem>>
    %dma_start3A_44 = tpu.memref_squeeze %dma_start3A_43 : memref<1x128xi32, #tpu.memory_space<vmem>> -> memref<128xi32, #tpu.memory_space<vmem>>
    %dma_start3A_45 = arith.constant 0 : i32
    %dma_start3A_46 = arith.constant 0 : i32
    %dma_start3A_47 = tpu.memref_slice %arg2[%dma_start3A_45, %dma_start3A_46] : memref<1048576x128xf32, #tpu.memory_space<hbm>> -> memref<1048576x128xf32, #tpu.memory_space<hbm>>
    %dma_start3A_48 = tpu.memref_slice %arg10[%dma_start3A_37] : memref<2x!tpu.dma_semaphore, #tpu.memory_space<semaphore_mem>> -> memref<1x!tpu.dma_semaphore, #tpu.memory_space<semaphore_mem>>
    %dma_start3A_49 = tpu.memref_squeeze %dma_start3A_48 : memref<1x!tpu.dma_semaphore, #tpu.memory_space<semaphore_mem>> -> memref<!tpu.dma_semaphore, #tpu.memory_space<semaphore_mem>>
    tpu.enqueue_indirect_dma source(%dma_start3A_41 : memref<128x128xf32, #tpu.memory_space<vmem>>) target(%dma_start3A_47 : memref<1048576x128xf32, #tpu.memory_space<hbm>>) offsets(%dma_start3A_44 : memref<128xi32, #tpu.memory_space<vmem>>) semaphore(%dma_start3A_49 : memref<!tpu.dma_semaphore, #tpu.memory_space<semaphore_mem>>)
    %dma_start3A_50 = arith.constant 1 : i32
    %dma_start3A_51 = arith.constant 1 : i32
    %dma_start3A_52 = arith.constant 1 : i32
    %dma_start3A_53 = arith.constant 0 : i32
    %dma_start3A_54 = arith.constant 0 : i32
    %dma_start3A_55 = tpu.memref_slice %arg7[%dma_start3A_50, %dma_start3A_53, %dma_start3A_54] : memref<2x128x128xf32, #tpu.memory_space<vmem>> -> memref<1x128x128xf32, #tpu.memory_space<vmem>>
    %dma_start3A_56 = tpu.memref_squeeze %dma_start3A_55 : memref<1x128x128xf32, #tpu.memory_space<vmem>> -> memref<128x128xf32, #tpu.memory_space<vmem>>
    %dma_start3A_57 = arith.constant 0 : i32
    %dma_start3A_58 = tpu.memref_slice %arg6[%dma_start3A_51, %dma_start3A_57] : memref<2x128xi32, #tpu.memory_space<vmem>> -> memref<1x128xi32, #tpu.memory_space<vmem>>
    %dma_start3A_59 = tpu.memref_squeeze %dma_start3A_58 : memref<1x128xi32, #tpu.memory_space<vmem>> -> memref<128xi32, #tpu.memory_space<vmem>>
    %dma_start3A_60 = arith.constant 0 : i32
    %dma_start3A_61 = arith.constant 0 : i32
    %dma_start3A_62 = tpu.memref_slice %arg2[%dma_start3A_60, %dma_start3A_61] : memref<1048576x128xf32, #tpu.memory_space<hbm>> -> memref<1048576x128xf32, #tpu.memory_space<hbm>>
    %dma_start3A_63 = tpu.memref_slice %arg10[%dma_start3A_52] : memref<2x!tpu.dma_semaphore, #tpu.memory_space<semaphore_mem>> -> memref<1x!tpu.dma_semaphore, #tpu.memory_space<semaphore_mem>>
    %dma_start3A_64 = tpu.memref_squeeze %dma_start3A_63 : memref<1x!tpu.dma_semaphore, #tpu.memory_space<semaphore_mem>> -> memref<!tpu.dma_semaphore, #tpu.memory_space<semaphore_mem>>
    tpu.enqueue_indirect_dma source(%dma_start3A_56 : memref<128x128xf32, #tpu.memory_space<vmem>>) target(%dma_start3A_62 : memref<1048576x128xf32, #tpu.memory_space<hbm>>) offsets(%dma_start3A_59 : memref<128xi32, #tpu.memory_space<vmem>>) semaphore(%dma_start3A_64 : memref<!tpu.dma_semaphore, #tpu.memory_space<semaphore_mem>>)
    %dma_wait3A_65 = arith.constant 0 : i32
    %dma_wait3A_66 = arith.constant 0 : i32
    %dma_wait3A_67 = arith.constant 0 : i32
    %dma_wait3A_68 = arith.constant 0 : i32
    %dma_wait3A_69 = arith.constant 0 : i32
    %dma_wait3A_70 = tpu.memref_slice %arg7[%dma_wait3A_65, %dma_wait3A_68, %dma_wait3A_69] : memref<2x128x128xf32, #tpu.memory_space<vmem>> -> memref<1x128x128xf32, #tpu.memory_space<vmem>>
    %dma_wait3A_71 = tpu.memref_squeeze %dma_wait3A_70 : memref<1x128x128xf32, #tpu.memory_space<vmem>> -> memref<128x128xf32, #tpu.memory_space<vmem>>
    %dma_wait3A_72 = arith.constant 0 : i32
    %dma_wait3A_73 = tpu.memref_slice %arg6[%dma_wait3A_66, %dma_wait3A_72] : memref<2x128xi32, #tpu.memory_space<vmem>> -> memref<1x128xi32, #tpu.memory_space<vmem>>
    %dma_wait3A_74 = tpu.memref_squeeze %dma_wait3A_73 : memref<1x128xi32, #tpu.memory_space<vmem>> -> memref<128xi32, #tpu.memory_space<vmem>>
    %dma_wait3A_75 = arith.constant 0 : i32
    %dma_wait3A_76 = arith.constant 0 : i32
    %dma_wait3A_77 = tpu.memref_slice %arg2[%dma_wait3A_75, %dma_wait3A_76] : memref<1048576x128xf32, #tpu.memory_space<hbm>> -> memref<1048576x128xf32, #tpu.memory_space<hbm>>
    %dma_wait3A_78 = tpu.memref_slice %arg10[%dma_wait3A_67] : memref<2x!tpu.dma_semaphore, #tpu.memory_space<semaphore_mem>> -> memref<1x!tpu.dma_semaphore, #tpu.memory_space<semaphore_mem>>
    %dma_wait3A_79 = tpu.memref_squeeze %dma_wait3A_78 : memref<1x!tpu.dma_semaphore, #tpu.memory_space<semaphore_mem>> -> memref<!tpu.dma_semaphore, #tpu.memory_space<semaphore_mem>>
    tpu.wait_indirect_dma semaphore(%dma_wait3A_79 : memref<!tpu.dma_semaphore, #tpu.memory_space<semaphore_mem>>) src(%dma_wait3A_71 : memref<128x128xf32, #tpu.memory_space<vmem>>) dst(%dma_wait3A_77 : memref<1048576x128xf32, #tpu.memory_space<hbm>>)
    %dma_wait3A_80 = arith.constant 1 : i32
    %dma_wait3A_81 = arith.constant 1 : i32
    %dma_wait3A_82 = arith.constant 1 : i32
    %dma_wait3A_83 = arith.constant 0 : i32
    %dma_wait3A_84 = arith.constant 0 : i32
    %dma_wait3A_85 = tpu.memref_slice %arg7[%dma_wait3A_80, %dma_wait3A_83, %dma_wait3A_84] : memref<2x128x128xf32, #tpu.memory_space<vmem>> -> memref<1x128x128xf32, #tpu.memory_space<vmem>>
    %dma_wait3A_86 = tpu.memref_squeeze %dma_wait3A_85 : memref<1x128x128xf32, #tpu.memory_space<vmem>> -> memref<128x128xf32, #tpu.memory_space<vmem>>
    %dma_wait3A_87 = arith.constant 0 : i32
    %dma_wait3A_88 = tpu.memref_slice %arg6[%dma_wait3A_81, %dma_wait3A_87] : memref<2x128xi32, #tpu.memory_space<vmem>> -> memref<1x128xi32, #tpu.memory_space<vmem>>
    %dma_wait3A_89 = tpu.memref_squeeze %dma_wait3A_88 : memref<1x128xi32, #tpu.memory_space<vmem>> -> memref<128xi32, #tpu.memory_space<vmem>>
    %dma_wait3A_90 = arith.constant 0 : i32
    %dma_wait3A_91 = arith.constant 0 : i32
    %dma_wait3A_92 = tpu.memref_slice %arg2[%dma_wait3A_90, %dma_wait3A_91] : memref<1048576x128xf32, #tpu.memory_space<hbm>> -> memref<1048576x128xf32, #tpu.memory_space<hbm>>
    %dma_wait3A_93 = tpu.memref_slice %arg10[%dma_wait3A_82] : memref<2x!tpu.dma_semaphore, #tpu.memory_space<semaphore_mem>> -> memref<1x!tpu.dma_semaphore, #tpu.memory_space<semaphore_mem>>
    %dma_wait3A_94 = tpu.memref_squeeze %dma_wait3A_93 : memref<1x!tpu.dma_semaphore, #tpu.memory_space<semaphore_mem>> -> memref<!tpu.dma_semaphore, #tpu.memory_space<semaphore_mem>>
    tpu.wait_indirect_dma semaphore(%dma_wait3A_94 : memref<!tpu.dma_semaphore, #tpu.memory_space<semaphore_mem>>) src(%dma_wait3A_86 : memref<128x128xf32, #tpu.memory_space<vmem>>) dst(%dma_wait3A_92 : memref<1048576x128xf32, #tpu.memory_space<hbm>>)
    return
  }
}

</mosaic_0001>

<sc_bundles>
// kernel: kernel.3.cloned.1.call-start
scs
__scs_entry_jumppad:
0x0: {  	(pc) =	sbr.rel $0x88, $3  }
0x1: {  	(tag) =	ssettag $0x0;
	lr =	simm.s32 $0x1  }
0x2: {  	[smem:$0x3F9D] =	sst lr;
	_ =	strace $0xD0000000  }
0x3: {  	_ = 	snop  }
0x4: {  	_ = 	snop  }
0x5: {  	_ = 	snop  }
0x6: {  	_ = 	snop  }
0x7: {  	_ = 	snop  }
__scs_overlays_trampoline_lowered:
0x8: {  	[smem:$0x3FAC] =	sst s0  }
0x9: {  	[smem:$0x3FAD] =	sst s1  }
0xa: {  	[smem:$0x3FAE] =	sst s2  }
0xb: {  	[smem:$0x3FAF] =	sst s3  }
0xc: {  	[smem:$0x3FB0] =	sst s4  }
0xd: {  	[smem:$0x3FB1] =	sst s5  }
0xe: {  	[smem:$0x3FB2] =	sst s6  }
0xf: {  	[smem:$0x3FB3] =	sst s7  }
0x10: {  	[smem:$0x3FB4] =	sst s8  }
0x11: {  	[smem:$0x3FB5] =	sst s9;
	s0 =	simm.s32 @!p0 $0x0  }
0x12: {  	s1 =	sld [smem:$0x3F9B];
	s0 =	simm.s32 @p0 $0x1  }
0x13: {  	[smem:$0x3FB6] =	sst s0;
	s0 =	simm.s32 @!p1 $0x0  }
0x14: {  	s2 =	sld [smem:$0x3F9A];
	s0 =	simm.s32 @p1 $0x1  }
0x15: {  	[smem:$0x3FB7] =	sst s0;
	s0 =	simm.s32 @!p2 $0x0  }
0x16: {  	s3 =	sld [smem:$0x3FDB];
	s0 =	simm.s32 @p2 $0x1  }
0x17: {  	s4 =	simm.s32 $0x1BF5;
	[smem:$0x3FB9] =	sst s0  }
0x18: {  	s0 =	sld [smem:$0x3F9C];
	_ =	swait.ge [sflag:s4], $0x0  }
0x19: {  	s7 =	sld [smem:$0x3F9D]  }
0x1a: {  	s8 =	sadd.s32 $0xFFFFE003, lr  }
0x1b: {  	s9 =	sadd.s32 $0xFFFFFEF7, lr;
	s5 =	simm.s32 $0xFFFFFFFF;
	p2 =	slt.u32 s8, $0xFFFFF086  }
0x1c: {  	p1 =	slt.u32 s9, $0xF7A;
	s5 =	simm.s32 @!p2 $0x0  }
0x1d: {  	s5 =	simm.s32 @p1 $0x1;
	p0 =	seq.s32 s7, s2  }
0x1e: {  	s7 =	smul.u32 @!p0 $0xF7A, s2;
	p2 =	seq.s32 @!p0 s5, $0x0  }
0x1f: {  	s9 =	smul.u32 $0xF7A, s1;
	s8 =	simm.s32 @!p0 $0x1BF5;
	p2 =	por !p2, p0  }
0x20: {  	[sflag:s8] =	ssyncset.s32 @!p0 $0xFFFFF086;
	s6 =	sadd.s32 @!p0 s3, s7;
	s7 =	simm.s32 @!p0 $0x108  }
0x21: {  	s3 =	sadd.s32 s3, s9;
	s6 =	sadd.s32 @!p0 $0x88, s6;
	s7 =	simm.s32 @p2 $0x1082  }
0x22: {  	[simem:s7], [sflag:s8] =	dma.local @!p0 [hbm:s6], $0xF7A  }
0x23: {  	s9 =	sor.u32 $0xD0000000, s2;
	s6 =	simm.s32 $0x108;
	_ =	swait.ge @!p0 [sflag:s8], $0x0  }
0x24: {  	s3 =	sadd.s32 $0x88, s3;
	s6 =	simm.s32 @!p1 $0x1082;
	[sflag:s4] =	ssyncset.s32 $0xFFFFF086  }
0x25: {  	[simem:s6], [sflag:s4] =	dma.local [hbm:s3], $0xF7A  }
0x26: {  	[smem:$0x3F9D] =	sst s1;
	(tag) =	ssettag s2;
	_ =	strace s9  }
0x27: {  	s1 =	sld [smem:$0x3FAD]  }
0x28: {  	s2 =	sld [smem:$0x3FAE]  }
0x29: {  	s4 =	sld [smem:$0x3FB0]  }
0x2a: {  	p0 =	seq.s32 s5, $0x0;
	s5 =	sld [smem:$0x3FB1]  }
0x2b: {  	s6 =	sld [smem:$0x3FB2]  }
0x2c: {  	s7 =	sld [smem:$0x3FB3]  }
0x2d: {  	s3 =	simm.s32 $0x108;
	s8 =	sld [smem:$0x3FB4]  }
0x2e: {  	s3 =	simm.s32 @!p0 $0x1082;
	s9 =	sld [smem:$0x3FB5]  }
0x2f: {  	lr =	sadd.s32 s0, s3;
	s0 =	sld [smem:$0x3FAC]  }
0x30: {  	s3 =	sld [smem:$0x3FAF]  }
0x31: {  	[smem:$0x3FB8] =	sst s10  }
0x32: {  	s10 =	sld [smem:$0x3FB6];
	_ =	sdelay $0x3  }
0x33: {  	p0 =	seq.s32 s10, $0x1;
	s10 =	sld [smem:$0x3FB8];
	_ =	sdelay $0x3  }
0x34: {  	[smem:$0x3FB8] =	sst s10  }
0x35: {  	s10 =	sld [smem:$0x3FB7];
	_ =	sdelay $0x3  }
0x36: {  	p1 =	seq.s32 s10, $0x1;
	s10 =	sld [smem:$0x3FB8];
	_ =	sdelay $0x3  }
0x37: {  	[smem:$0x3FB8] =	sst s10  }
0x38: {  	s10 =	sld [smem:$0x3FB9]  }
0x39: {  	_ = 	snop;
	(pc) =	sbr.ind lr, $3  }
0x3a: {  	_ = 	snop  }
0x3b: {  	_ = 	snop  }
0x3c: {  	p2 =	seq.s32 s10, $0x1;
	s10 =	sld [smem:$0x3FB8]  }
0x3d: {  	_ =	shalt  }
0x3e: {  	_ =	shalt  }
0x3f: {  	_ =	shalt  }
0x40: {  	_ =	shalt  }
0x41: {  	_ =	shalt  }
0x42: {  	_ =	shalt  }
0x43: {  	_ =	shalt  }
0x44: {  	_ =	shalt  }
0x45: {  	_ =	shalt  }
0x46: {  	_ =	shalt  }
0x47: {  	_ =	shalt  }
0x48: {  	_ =	shalt  }
0x49: {  	_ =	shalt  }
0x4a: {  	_ =	shalt  }
0x4b: {  	_ =	shalt  }
0x4c: {  	_ =	shalt  }
0x4d: {  	_ =	shalt  }
0x4e: {  	_ =	shalt  }
0x4f: {  	_ =	shalt  }
0x50: {  	_ =	shalt  }
0x51: {  	_ =	shalt  }
0x52: {  	_ =	shalt  }
0x53: {  	_ =	shalt  }
0x54: {  	_ =	shalt  }
0x55: {  	_ =	shalt  }
0x56: {  	_ =	shalt  }
0x57: {  	_ =	shalt  }
0x58: {  	_ =	shalt  }
0x59: {  	_ =	shalt  }
0x5a: {  	_ =	shalt  }
0x5b: {  	_ =	shalt  }
0x5c: {  	_ =	shalt  }
0x5d: {  	_ =	shalt  }
0x5e: {  	_ =	shalt  }
0x5f: {  	_ =	shalt  }
0x60: {  	_ =	shalt  }
0x61: {  	_ =	shalt  }
0x62: {  	_ =	shalt  }
0x63: {  	_ =	shalt  }
0x64: {  	_ =	shalt  }
0x65: {  	_ =	shalt  }
0x66: {  	_ =	shalt  }
0x67: {  	_ =	shalt  }
0x68: {  	_ =	shalt  }
0x69: {  	_ =	shalt  }
0x6a: {  	_ =	shalt  }
0x6b: {  	_ =	shalt  }
0x6c: {  	_ =	shalt  }
0x6d: {  	_ =	shalt  }
0x6e: {  	_ =	shalt  }
0x6f: {  	_ =	shalt  }
0x70: {  	_ =	shalt  }
0x71: {  	_ =	shalt  }
0x72: {  	_ =	shalt  }
0x73: {  	_ =	shalt  }
0x74: {  	_ =	shalt  }
0x75: {  	_ =	shalt  }
0x76: {  	_ =	shalt  }
0x77: {  	_ =	shalt  }
0x78: {  	_ =	shalt  }
0x79: {  	_ =	shalt  }
0x7a: {  	_ =	shalt  }
0x7b: {  	_ =	shalt  }
0x7c: {  	_ =	shalt  }
0x7d: {  	_ =	shalt  }
0x7e: {  	_ =	shalt  }
0x7f: {  	_ =	shalt  }
0x80: {  	_ =	shalt  }
0x81: {  	_ =	shalt  }
0x82: {  	_ =	shalt  }
0x83: {  	_ =	shalt  }
0x84: {  	_ =	shalt  }
0x85: {  	_ =	shalt  }
0x86: {  	_ =	shalt  }
0x87: {  	_ =	shalt  }
.Lfunc_end0:
.L_simem_size_0:
called_computation_lowered:
.L_overlay_start_0:
0x88: {  	s2 =	sld [smem:$0x3FD9]  }
0x89: {  	s3 =	sld [smem:$0x3FFE];
	_ =	sdelay $0x1  }
0x8a: {  	s1 =	srdreg.scid  }
0x8b: {  	s0 =	sand.u32 $0x1, s1  }
0x8c: {  	s17 =	sshll.u32 s0, $0xA;
	s2 =	sadd.s32 s3, s2  }
0x8d: {  	s2 =	sadd.s32 s2, s17  }
0x8e: {  	[smem:$0x3FC4] =	sst s2  }
0x8f: {  	_ = 	snop  }
0x90: {  	s2 =	sld [smem:$0x3FC7]  }
0x91: {  	s18 =	sld [smem:$0x3FD0];
	(tm) =	ssettm $0x1  }
0x92: {  	s4 =	sld [smem:$0x3FFB];
	_ =	sdelay $0x3  }
0x93: {  	_ =	strace s4  }
0x94: {  	s4 =	sld [smem:$0x3FFC];
	_ =	sdelay $0x3  }
0x95: {  	_ =	strace s4  }
0x96: {  	s4 =	sld [smem:$0x3FFD];
	_ =	sdelay $0x3  }
0x97: {  	_ =	strace s4  }
0x98: {  	_ =	strace $0x8FFFFFFF  }
0x99: {  	s19 =	sld [smem:$0x3FDB];
	_ =	sdelay $0x1  }
0x9a: {  	s5 =	simm.s32 $_scs_section_size  }
0x9b: {  	s6 =	simm.s32 $_size__tile_overlayer_lowered;
	s7 =	simm.s32 $_tile_overlayer_lowered  }
0x9c: {  	s22 =	simm.s32 $0x1BFF;
	s21 =	sshll.u32 s7, $0x1;
	s4 =	sadd.s32 s5, s19  }
0x9d: {  	s8 =	simm.s32 $0x0;
	s20 =	sshll.u32 s6, $0x1;
	s6 =	sadd.s32 s21, s4  }
0x9e: {  	[timem:s8], [sflag:s22] =	dma.local [hbm:s6], s20  }
0x9f: {  	_ =	swait.ge [sflag:s22], s20  }
0xa0: {  	s5 =	ssub.s32 $0x0, s20;
	[sflag:s22] =	ssyncset.done $0x0  }
0xa1: {  	[sflag:s22] =	ssyncadd.s32 s5;
	_ =	sdelay $0x1  }
0xa2: {  	s23 =	simm.s32 $0x1B8B  }
0xa3: {  	_ =	swait.ge [sflag:s23], $0x1  }
0xa4: {  	[sflag:s23] =	ssyncset.done $0x0  }
0xa5: {  	s25 =	simm.s32 $0x1B8E;
	s24 =	sld [smem:$0x3FFE];
	[sflag:s23] =	ssyncadd.s32 $0xFFFFFFFF  }
0xa6: {  	s26 =	simm.s32 $execute0_lowered;
	[smem:$0x3FD2] =	sst s25  }
0xa7: {  	s6 =	sshll.u32 s26, $0x1;
	_ =	strace $0x80000046;
	[dreg:$0x1] =	wrdreg $0xFFFFFFFF  }
0xa8: {  	s28 =	simm.s32 $_size_execute0_lowered;
	s4 =	sadd.s32 s4, s6;
	[dreg:$0x0] =	wrdreg $0x0  }
0xa9: {  	s6 =	sshll.u32 s28, $0x1;
	[dreg:$0x2] =	wrdreg s4  }
0xaa: {  	[dreg:$0x3] =	wrdreg s6  }
0xab: {  	[dreg:$0x4] =	wrdreg $0xC0  }
0xac: {  	_ =	task [dreg:s8], $0x5FFFF  }
0xad: {  	[dreg:$0x1] =	wrdreg $0xFFFFFFFF  }
0xae: {  	[dreg:$0x0] =	wrdreg $0x60  }
0xaf: {  	[dreg:$0x2] =	wrdreg s18  }
0xb0: {  	[dreg:$0x3] =	wrdreg s24  }
0xb1: {  	[dreg:$0x4] =	wrdreg s2  }
0xb2: {  	[dreg:$0x5] =	wrdreg $0x9  }
0xb3: {  	_ =	task.clear_ibuf [dreg:s8], $0x6FFFF;
	_ =	strace $0x90000046  }
0xb4: {  	s29 =	simm.s32 $0x9;
	_ =	strace $0x80000048  }
0xb5: {  	_ =	swait.ge [sflag:s29], $0x1  }
0xb6: {  	[sflag:s29] =	ssyncadd.s32 $0xFFFFFFFF  }
0xb7: {  	_ =	strace $0x90000048  }
0xb8: {  	_ =	sfence  }
0xb9: {  	s30 =	sld [smem:$0x0];
	_ =	sdelay $0x2  }
0xba: {  	s31 =	sshll.u32 s1, $0xD;
	s1 =	sshrl.u32 s1, $0x2  }
0xbb: {  	s3 =	sand.u32 $0x4000, s31;
	s1 =	sadd.s32 s1, s30  }
0xbc: {  	s0 =	sor.u32 s3, s0;
	s1 =	sshll.u32 s1, $0x11  }
0xbd: {  	s0 =	sor.u32 s1, s0  }
0xbe: {  	s0 =	sadd.s32 $0x8F2B, s0  }
0xbf: {  	[sflag:s0] =	ssyncadd.remote.s32 $0x1  }
0xc0: {  	_ =	sfence.sel $0xFFFF  }
0xc1: {  	[dreg:$0x0] =	wrdreg $0xFFFFFFFF;
	(pc) =	sbr.abs _section_cstart, $3  }
0xc2: {  	[dreg:$0x1] =	wrdreg $0xFFFFFFFF  }
0xc3: {  	_ =	task.clear_ibuf [dreg:s8], $0x2FFFF;
	_ =	strace $0x9FFFFFFF  }
0xc4: {  	(tm) =	ssettm $0x7FFFFFFF  }
0xc5: {  	_ =	shalt  }
tec
execute0_lowered:
.L_overlay_start_1:
0x0: {  	(tag) =	ssettag $0x1  }
0x1: {  	s1 =	rddreg [dreg:$0x0]  }
0x2: {  	s2 =	srdreg.scid;
	s0 =	stileid.u32  }
0x3: {  	s4 =	rddreg [dreg:$0x1];
	s10 =	sand.u32 $0x1, s2;
	s31 =	sshll.u32 s0, $0x1  }
0x4: {  	s5 =	rddreg [dreg:$0x2];
	s6 =	sor.u32 s10, s31  }
0x5: {  	s3 =	simm.s32 $0x0;
	s2 =	rddreg [dreg:$0x3];
	s7 =	sshll.u32 s6, $0x5  }
0x6: {  	[smem:$0x7FF] =	sst s3;
	s4 =	sadd.s32 s7, s4  }
0x7: {  	_ =	strace $0x80000047;
	s6 =	sshll.u32 s6, $0xC;
	s4 =	sadd.s32 $0x800, s4  }
0x8: {  	[tilespmem:s3], [sflag:$0x1] =	stream.linear.gather [hbm4b:s4+s3], $0x100, $0x38;
	[tilespmem:$0x8100] =	vst v63  }
0x9: {  	s5 =	sadd.s32 s5, s6;
	s6 =	simm.s32 $0x100;
	s7 =	simm.s32 $0x1  }
0xa: {  	[tilespmem:s6], [sflag:$0x2] =	stream.linear.gather [hbm4b:s5+s3], $0x8000, $0x38;
	[tilespmem:$0x8100] =	vst v63  }
0xb: {  	_ =	swait.ge [sflag:s7], $0x100  }
0xc: {  	[sflag:s7] =	ssyncset.done $0x0  }
0xd: {  	s8 =	simm.s32 $0x2;
	s12 =	ssub.s32 $0x2, s10;
	[sflag:s7] =	ssyncadd.s32 $0xFFFFFF00  }
0xe: {  	s13 =	sshrl.u32 s12, $0x1;
	_ =	swait.ge [sflag:s8], $0x8000  }
0xf: {  	s12 =	ssub.s32 s12, s13;
	[sflag:s8] =	ssyncset.done $0x0  }
0x10: {  	s9 =	simm.s32 $0x80;
	s13 =	smax.u32 s12, $0x1;
	[sflag:s8] =	ssyncadd.s32 $0xFFFF8000  }
0x11: {  	[hbm4b:s1+s9] =	stream.indirect.scatter [tilespmem:s6], [sflag:$0x3], $0x80, s3, s9, $0xb8;
	[tilespmem:$0x8100] =	vst v63  }
0x12: {  	s11 =	simm.s32 $0x3;
	s10 =	simm.s32 $0x4100;
	p0 =	sne.s32 s13, $0x1  }
0x13: {  	[hbm4b:s1+s9] =	stream.indirect.scatter [tilespmem:s10], [sflag:$0x4], $0x80, s9, s9, $0xb8;
	[tilespmem:$0x8100] =	vst v63  }
.Ltmp0:
0x14: {  	_ =	swait.ge [sflag:s11], $0x4000;
	(pc) =	sbr.rel @!p0 .LBB2_2-.Ltmp0, $4  }
0x15: {  	[sflag:s11] =	ssyncset.done $0x0  }
0x16: {  	s12 =	simm.s32 $0x4;
	[sflag:s11] =	ssyncadd.s32 $0xFFFFC000  }
0x17: {  	_ =	swait.ge [sflag:s12], $0x4000  }
0x18: {  	s13 =	sadd.s32 $0xFFFFFFFF, s13;
	[sflag:s12] =	ssyncset.done $0x0  }
.LBB2_1:
0x19: {  	p0 =	sne.s32 s13, $0x1;
	s13 =	sadd.s32 $0xFFFFFFFF, s13;
	[sflag:s12] =	ssyncadd.s32 $0xFFFFC000  }
0x1a: {  	[tilespmem:s3], [sflag:$0x1] =	stream.linear.gather [hbm4b:s4+s3], $0x100, $0x38;
	[tilespmem:$0x8100] =	vst v63  }
0x1b: {  	_ = 	snop  }
0x1c: {  	[tilespmem:s6], [sflag:$0x2] =	stream.linear.gather [hbm4b:s5+s3], $0x8000, $0x38;
	[tilespmem:$0x8100] =	vst v63  }
0x1d: {  	_ =	swait.ge [sflag:s7], $0x100  }
0x1e: {  	[sflag:s7] =	ssyncset.done $0x0  }
0x1f: {  	[sflag:s7] =	ssyncadd.s32 $0xFFFFFF00  }
0x20: {  	_ =	swait.ge [sflag:s8], $0x8000  }
0x21: {  	[sflag:s8] =	ssyncset.done $0x0  }
0x22: {  	[sflag:s8] =	ssyncadd.s32 $0xFFFF8000  }
0x23: {  	[hbm4b:s1+s9] =	stream.indirect.scatter [tilespmem:s6], [sflag:$0x3], $0x80, s3, s9, $0xb8;
	[tilespmem:$0x8100] =	vst v63  }
0x24: {  	_ = 	snop  }
0x25: {  	[hbm4b:s1+s9] =	stream.indirect.scatter [tilespmem:s10], [sflag:$0x4], $0x80, s9, s9, $0xb8;
	[tilespmem:$0x8100] =	vst v63  }
.Ltmp1:
0x26: {  	_ =	swait.ge [sflag:s11], $0x4000;
	(pc) =	sbr.rel @p0 .LBB2_1-.Ltmp1, $4  }
0x27: {  	[sflag:s11] =	ssyncset.done $0x0  }
0x28: {  	[sflag:s11] =	ssyncadd.s32 $0xFFFFC000  }
0x29: {  	_ =	swait.ge [sflag:s12], $0x4000  }
0x2a: {  	[sflag:s12] =	ssyncset.done $0x0  }
.LBB2_2:
0x2b: {  	[sflag:s12] =	ssyncadd.s32 $0xFFFFC000  }
0x2c: {  	_ =	sfence.sel $0x180000  }
0x2d: {  	[bflag:$0x0] =	sbarrier.arrive $0xFFFF  }
0x2e: {  	p0 =	sne.s32 s0, $0x0;
	_ =	strace $0x90000047  }
0x2f: {  	s0 =	sadd.s32 @!p0 $0x100000, s2;
	[bflag:$0x2] =	sbarrier.arrive $0xFFFF  }
0x30: {  	[sflag:s0] =	ssyncadd.tile.s32 @!p0 $0x1;
	_ =	shalt  }
.Lfunc_end2:
_tile_overlayer_lowered:
.L_overlay_start_2:
0x31: {  	(tag) =	ssettag $0x2  }
0x32: {  	s0 =	rddreg [dreg:$0x0];
	s2 =	stileid.u32  }
0x33: {  	s1 =	rddreg [dreg:$0x1];
	p0 =	sne.s32 s2, $0x0  }
0x34: {  	s3 =	rddreg [dreg:$0x2];
	[bflag:$0x3] =	sbarrier.arrive $0xFFFF;
	s2 =	simm.s32 @!p0 $0x1C05  }
0x35: {  	[timem:s3], [sflag:s2] =	dma.local @!p0 [hbm:s0], s1  }
0x36: {  	s0 =	simm.s32 @!p0 $0x5  }
0x37: {  	_ =	swait.ge @!p0 [sflag:s0], s1  }
0x38: {  	s1 =	ssub.s32 @!p0 $0x0, s1;
	[sflag:s0] =	ssyncset.done @!p0 $0x0  }
0x39: {  	[sflag:s0] =	ssyncadd.s32 @!p0 s1  }
0x3a: {  	[bflag:$0x3] =	sbarrier.arrive $0xFFFF  }
0x3b: {  	_ =	shalt  }

</sc_bundles>
